<compile_context>
chip_gen: v7x
topology: tpu7x:2x2x1
jax: 0.10.2.dev20260603
libtpu: 0.0.44.dev20260713+nightly
codegen_flags: <defaults>
</compile_context>

<pallas_src>
import functools

import jax
import jax.numpy as jnp
from jax import lax
from jax.experimental import pallas as pl
from jax.experimental.pallas import tpu as pltpu
from jax.experimental.pallas import tpu_sc as plsc

NC = 2
NS = 16
L = 16
OC = 4096


@functools.lru_cache(maxsize=None)
def _build(F, V, D, B):
    ROWS = F * D
    NW = NC * NS
    assert ROWS % NW == 0
    PER_W = ROWS // NW
    NK = B // OC
    assert NK >= 2 and OC % L == 0

    mesh = plsc.VectorSubcoreMesh(core_axis_name="c", subcore_axis_name="s")

    @functools.partial(
        pl.kernel,
        out_type=jax.ShapeDtypeStruct((ROWS, B), jnp.float32),
        mesh=mesh,
        scratch_types=[
            pltpu.VMEM((V,), jnp.float32),
            pltpu.VMEM((B,), jnp.int32),
            pltpu.VMEM((OC,), jnp.float32),
            pltpu.VMEM((OC,), jnp.float32),
            pltpu.SemaphoreType.DMA,
            pltpu.SemaphoreType.DMA,
        ],
        compiler_params=pltpu.CompilerParams(needs_layout_passes=False),
    )
    def gather_kernel(idx_hbm, tab_hbm, out_hbm, row_v, idx_v, out_a, out_b,
                      sem_a, sem_b):
        wid = lax.axis_index("s") * NC + lax.axis_index("c")
        c0 = wid * PER_W

        def wait_out(c, sem):
            pltpu.make_async_copy(
                out_a, out_hbm.at[c, pl.ds(0, OC)], sem).wait()

        def task(t, carry):
            c = c0 + t
            f = c // D
            d = c % D
            pltpu.sync_copy(tab_hbm.at[c, :], row_v)

            @pl.when(jnp.logical_or(t == 0, d == 0))
            def _():
                pltpu.sync_copy(idx_hbm.at[f, :], idx_v)

            for k in range(NK):
                buf, sem = (out_a, sem_a) if k % 2 == 0 else (out_b, sem_b)
                if k >= 2:
                    wait_out(c, sem)
                else:
                    @pl.when(t > 0)
                    def _():
                        wait_out(c, sem)

                @plsc.parallel_loop(0, OC, step=L, unroll=8)
                def gbody(i):
                    ids = idx_v[pl.ds(k * OC + i, L)]
                    buf[pl.ds(i, L)] = plsc.load_gather(row_v, [ids])

                pltpu.async_copy(buf, out_hbm.at[c, pl.ds(k * OC, OC)], sem)
            return carry

        lax.fori_loop(0, PER_W, task, 0)
        wait_out(c0, sem_a)
        wait_out(c0, sem_b)

    return gather_kernel


def kernel(indices, tables):
    B, F = indices.shape
    F2, V, D = tables.shape
    idx_t = indices.T
    tab2 = jnp.transpose(tables, (0, 2, 1)).reshape(F * D, V)
    out_t = _build(F, V, D, B)(idx_t, tab2)
    return out_t.T

# --- scband reference (transcript-rebuilt; emitter-appended) ---
"""Pipeline reference for scband-embedding-features-87419764342788 (READ-ONLY COPY).

The authoritative reference and input builder live on the scoring server;
editing this copy changes nothing except your own understanding.
"""

import jax, jax.numpy as jnp
import numpy as np

F = 26       # number of sparse feature columns
V = 100000   # vocab (sparse table rows per column)
D = 16       # embedding dimension (same across columns, as asserted in __init__)
B = 16384    # batch size


def setup_inputs(seed: int = 0) -> dict:
    key = jax.random.key(seed)
    k1, k2 = jax.random.split(key)
    # One sparse id per feature column per example (combiner degenerates to identity).
    indices = jax.random.randint(k1, (B, F), 0, V, dtype=jnp.int32)
    # Per-column embedding tables created via StateManagerImpl.create_variable;
    # stacked into a single [F, V, D] parameter for the reference.
    tables = jax.random.normal(k2, (F, V, D), dtype=jnp.float32) * 0.01
    return {"indices": indices, "tables": tables}


def reference(indices, tables):
    # EmbeddingFeatures.call: for each feature column, pull the embedding rows
    # for the sparse ids (sparse_table_pull + safe_embedding_lookup), then
    # because is_concat=True, concatenate per-column outputs along axis=-1.
    num_fields = tables.shape[0]
    col_idx = jnp.arange(num_fields, dtype=indices.dtype)[None, :]  # [1, F]
    # Gather: emb[b, f, :] = tables[f, indices[b, f], :]
    emb = tables[col_idx, indices]  # [B, F, D]
    out = emb.reshape(emb.shape[0], -1)  # concat with axis=-1 -> [B, F*D]
    return out

if __name__ == "__main__":
    import jax
    _d = setup_inputs()
    print(jax.jit(kernel)(*tuple(_d.values())))

</pallas_src>

<mosaic_0001>
#map = affine_map<(d0, d1) -> (0, 0)>
module attributes {stable_mosaic.version = 14 : i64} {
  func.func @gather_kernel(%arg0: i32, %arg1: i32, %arg2: memref<26x16384xi32, #tpu.memory_space<hbm>>, %arg3: memref<416x100000xf32, #tpu.memory_space<hbm>>, %arg4: memref<416x16384xf32, #tpu.memory_space<hbm>>, %arg5: memref<100000xf32, #tpu.memory_space<vmem>>, %arg6: memref<16384xi32, #tpu.memory_space<vmem>>, %arg7: memref<4096xf32, #tpu.memory_space<vmem>>, %arg8: memref<4096xf32, #tpu.memory_space<vmem>>, %arg9: memref<!tpu.dma_semaphore, #tpu.memory_space<semaphore_mem>>, %arg10: memref<!tpu.dma_semaphore, #tpu.memory_space<semaphore_mem>>) attributes {dimension_semantics = [#tpu.dimension_semantics<core_parallel>, #tpu.dimension_semantics<subcore_parallel>], iteration_bounds = array<i64: 2, 16>, scalar_prefetch = 0 : i64, scratch_operands = 6 : i64, tpu.core_type = #tpu.core_type<sc_vector_subcore>, window_params = [{transform_indices = #map}, {transform_indices = #map}, {transform_indices = #map}]} {
    %mul3A = arith.constant 2 : i32
    %mul3A_0 = arith.muli %arg1, %mul3A : i32
    %add3A = arith.addi %mul3A_0, %arg0 : i32
    %mul3A_1 = arith.constant 13 : i32
    %mul3A_2 = arith.muli %add3A, %mul3A_1 : i32
    %scan3A = arith.constant 0 : i32
    %scan3A_3 = arith.constant 0 : i32
    %scan3A_4 = arith.constant 13 : i32
    %scan3A_5 = arith.addi %scan3A_3, %scan3A_4 : i32
    %scan3A_6 = arith.constant 1 : i32
    scf.for %scan3A_19 = %scan3A_3 to %scan3A_5 step %scan3A_6  : i32 {
      %add3A_20 = arith.addi %mul3A_2, %scan3A_19 : i32
      %jit3A = arith.constant 16 : i32
      %div3A = arith.divsi %add3A_20, %jit3A : i32
      %sign3A = arith.constant 0 : i32
      %sign3A_21 = arith.cmpi sgt, %add3A_20, %sign3A : i32
      %sign3A_22 = arith.extui %sign3A_21 : i1 to i32
      %sign3A_23 = arith.constant 0 : i32
      %sign3A_24 = arith.cmpi slt, %add3A_20, %sign3A_23 : i32
      %sign3A_25 = arith.extui %sign3A_24 : i1 to i32
      %sign3A_26 = arith.subi %sign3A_22, %sign3A_25 : i32
      %sign3A_27 = arith.constant 0 : i32
      %sign3A_28 = arith.cmpi sgt, %jit3A, %sign3A_27 : i32
      %sign3A_29 = arith.extui %sign3A_28 : i1 to i32
      %sign3A_30 = arith.constant 0 : i32
      %sign3A_31 = arith.cmpi slt, %jit3A, %sign3A_30 : i32
      %sign3A_32 = arith.extui %sign3A_31 : i1 to i32
      %sign3A_33 = arith.subi %sign3A_29, %sign3A_32 : i32
      %ne3A = arith.cmpi ne, %sign3A_26, %sign3A_33 : i32
      %rem3A = arith.remsi %add3A_20, %jit3A : i32
      %ne3A_34 = arith.constant 0 : i32
      %ne3A_35 = arith.cmpi ne, %rem3A, %ne3A_34 : i32
      %and3A = arith.andi %ne3A, %ne3A_35 : i1
      %sub3A = arith.constant 1 : i32
      %sub3A_36 = arith.subi %div3A, %sub3A : i32
      %select_n3A = arith.select %and3A, %sub3A_36, %div3A : i32
      %jit3A_37 = arith.constant 16 : i32
      %eq3A = arith.constant 0 : i32
      %eq3A_38 = arith.cmpi eq, %jit3A_37, %eq3A : i32
      %jit3A_39 = arith.constant 1 : i32
      %select_n3A_40 = arith.select %eq3A_38, %jit3A_39, %jit3A_37 : i32
      %rem3A_41 = arith.remsi %add3A_20, %select_n3A_40 : i32
      %ne3A_42 = arith.constant 0 : i32
      %ne3A_43 = arith.cmpi ne, %rem3A_41, %ne3A_42 : i32
      %lt3A = arith.constant 0 : i32
      %lt3A_44 = arith.cmpi slt, %rem3A_41, %lt3A : i32
      %lt3A_45 = arith.constant 0 : i32
      %lt3A_46 = arith.cmpi slt, %select_n3A_40, %lt3A_45 : i32
      %ne3A_47 = arith.xori %lt3A_44, %lt3A_46 : i1
      %and3A_48 = arith.andi %ne3A_47, %ne3A_43 : i1
      %add3A_49 = arith.addi %rem3A_41, %select_n3A_40 : i32
      %select_n3A_50 = arith.select %and3A_48, %add3A_49, %rem3A_41 : i32
      "tpu.region"() ({
        %run_scoped3A = tpu.sem_alloc : memref<!tpu.dma_semaphore, #tpu.memory_space<semaphore_mem>>
        %dma_start3A_111 = arith.constant 0 : i32
        %dma_start3A_112 = tpu.memref_slice %arg3[%add3A_20, %dma_start3A_111] : memref<416x100000xf32, #tpu.memory_space<hbm>> -> memref<1x100000xf32, #tpu.memory_space<hbm>>
        %dma_start3A_113 = tpu.memref_squeeze %dma_start3A_112 : memref<1x100000xf32, #tpu.memory_space<hbm>> -> memref<100000xf32, #tpu.memory_space<hbm>>
        %dma_start3A_114 = arith.constant 0 : i32
        %dma_start3A_115 = tpu.memref_slice %arg3[%add3A_20, %dma_start3A_114] : memref<416x100000xf32, #tpu.memory_space<hbm>> -> memref<1x100000xf32, #tpu.memory_space<hbm>>
        %dma_start3A_116 = tpu.memref_squeeze %dma_start3A_115 : memref<1x100000xf32, #tpu.memory_space<hbm>> -> memref<100000xf32, #tpu.memory_space<hbm>>
        tpu.enqueue_dma source(%dma_start3A_116 : memref<100000xf32, #tpu.memory_space<hbm>>) target(%arg5 : memref<100000xf32, #tpu.memory_space<vmem>>) target_semaphore(%run_scoped3A : memref<!tpu.dma_semaphore, #tpu.memory_space<semaphore_mem>>)
        %dma_wait3A_117 = arith.constant 0 : i32
        %dma_wait3A_118 = tpu.memref_slice %arg3[%add3A_20, %dma_wait3A_117] : memref<416x100000xf32, #tpu.memory_space<hbm>> -> memref<1x100000xf32, #tpu.memory_space<hbm>>
        %dma_wait3A_119 = tpu.memref_squeeze %dma_wait3A_118 : memref<1x100000xf32, #tpu.memory_space<hbm>> -> memref<100000xf32, #tpu.memory_space<hbm>>
        %dma_wait3A_120 = arith.constant 0 : i32
        %dma_wait3A_121 = tpu.memref_slice %arg3[%add3A_20, %dma_wait3A_120] : memref<416x100000xf32, #tpu.memory_space<hbm>> -> memref<1x100000xf32, #tpu.memory_space<hbm>>
        %dma_wait3A_122 = tpu.memref_squeeze %dma_wait3A_121 : memref<1x100000xf32, #tpu.memory_space<hbm>> -> memref<100000xf32, #tpu.memory_space<hbm>>
        tpu.wait_dma2 semaphore(%run_scoped3A : memref<!tpu.dma_semaphore, #tpu.memory_space<semaphore_mem>>) src(%dma_wait3A_122 : memref<100000xf32, #tpu.memory_space<hbm>>) dst(%arg5 : memref<100000xf32, #tpu.memory_space<vmem>>)
        tpu.yield
      }) : () -> ()
      %eq3A_51 = arith.constant 0 : i32
      %eq3A_52 = arith.cmpi eq, %scan3A_19, %eq3A_51 : i32
      %eq3A_53 = arith.constant 0 : i32
      %eq3A_54 = arith.cmpi eq, %select_n3A_50, %eq3A_53 : i32
      %or3A = arith.ori %eq3A_52, %eq3A_54 : i1
      %convert_element_type3A = arith.extui %or3A : i1 to i32
      %cond3A = arith.constant 0 : i32
      %cond3A_55 = arith.cmpi ne, %convert_element_type3A, %cond3A : i32
      scf.if %cond3A_55 {
        "tpu.region"() ({
          %run_scoped3A = tpu.sem_alloc : memref<!tpu.dma_semaphore, #tpu.memory_space<semaphore_mem>>
          %dma_start3A_111 = arith.constant 0 : i32
          %dma_start3A_112 = tpu.memref_slice %arg2[%select_n3A, %dma_start3A_111] : memref<26x16384xi32, #tpu.memory_space<hbm>> -> memref<1x16384xi32, #tpu.memory_space<hbm>>
          %dma_start3A_113 = tpu.memref_squeeze %dma_start3A_112 : memref<1x16384xi32, #tpu.memory_space<hbm>> -> memref<16384xi32, #tpu.memory_space<hbm>>
          %dma_start3A_114 = arith.constant 0 : i32
          %dma_start3A_115 = tpu.memref_slice %arg2[%select_n3A, %dma_start3A_114] : memref<26x16384xi32, #tpu.memory_space<hbm>> -> memref<1x16384xi32, #tpu.memory_space<hbm>>
          %dma_start3A_116 = tpu.memref_squeeze %dma_start3A_115 : memref<1x16384xi32, #tpu.memory_space<hbm>> -> memref<16384xi32, #tpu.memory_space<hbm>>
          tpu.enqueue_dma source(%dma_start3A_116 : memref<16384xi32, #tpu.memory_space<hbm>>) target(%arg6 : memref<16384xi32, #tpu.memory_space<vmem>>) target_semaphore(%run_scoped3A : memref<!tpu.dma_semaphore, #tpu.memory_space<semaphore_mem>>)
          %dma_wait3A_117 = arith.constant 0 : i32
          %dma_wait3A_118 = tpu.memref_slice %arg2[%select_n3A, %dma_wait3A_117] : memref<26x16384xi32, #tpu.memory_space<hbm>> -> memref<1x16384xi32, #tpu.memory_space<hbm>>
          %dma_wait3A_119 = tpu.memref_squeeze %dma_wait3A_118 : memref<1x16384xi32, #tpu.memory_space<hbm>> -> memref<16384xi32, #tpu.memory_space<hbm>>
          %dma_wait3A_120 = arith.constant 0 : i32
          %dma_wait3A_121 = tpu.memref_slice %arg2[%select_n3A, %dma_wait3A_120] : memref<26x16384xi32, #tpu.memory_space<hbm>> -> memref<1x16384xi32, #tpu.memory_space<hbm>>
          %dma_wait3A_122 = tpu.memref_squeeze %dma_wait3A_121 : memref<1x16384xi32, #tpu.memory_space<hbm>> -> memref<16384xi32, #tpu.memory_space<hbm>>
          tpu.wait_dma2 semaphore(%run_scoped3A : memref<!tpu.dma_semaphore, #tpu.memory_space<semaphore_mem>>) src(%dma_wait3A_122 : memref<16384xi32, #tpu.memory_space<hbm>>) dst(%arg6 : memref<16384xi32, #tpu.memory_space<vmem>>)
          tpu.yield
        }) : () -> ()
      } else {
      }
      %gt3A = arith.constant 0 : i32
      %gt3A_56 = arith.cmpi sgt, %scan3A_19, %gt3A : i32
      %convert_element_type3A_57 = arith.extui %gt3A_56 : i1 to i32
      %cond3A_58 = arith.constant 0 : i32
      %cond3A_59 = arith.cmpi ne, %convert_element_type3A_57, %cond3A_58 : i32
      scf.if %cond3A_59 {
        %dma_wait3A_111 = arith.constant 0 : i32
        %dma_wait3A_112 = tpu.memref_slice %arg4[%add3A_20, %dma_wait3A_111] : memref<416x16384xf32, #tpu.memory_space<hbm>> -> memref<1x4096xf32, #tpu.memory_space<hbm>>
        %dma_wait3A_113 = tpu.memref_squeeze %dma_wait3A_112 : memref<1x4096xf32, #tpu.memory_space<hbm>> -> memref<4096xf32, #tpu.memory_space<hbm>>
        %dma_wait3A_114 = arith.constant 0 : i32
        %dma_wait3A_115 = tpu.memref_slice %arg4[%add3A_20, %dma_wait3A_114] : memref<416x16384xf32, #tpu.memory_space<hbm>> -> memref<1x4096xf32, #tpu.memory_space<hbm>>
        %dma_wait3A_116 = tpu.memref_squeeze %dma_wait3A_115 : memref<1x4096xf32, #tpu.memory_space<hbm>> -> memref<4096xf32, #tpu.memory_space<hbm>>
        tpu.wait_dma2 semaphore(%arg9 : memref<!tpu.dma_semaphore, #tpu.memory_space<semaphore_mem>>) src(%arg7 : memref<4096xf32, #tpu.memory_space<vmem>>) dst(%dma_wait3A_116 : memref<4096xf32, #tpu.memory_space<hbm>>)
      } else {
      }
      %parallel_loop3A = arith.constant 0 : i32
      %parallel_loop3A_60 = arith.constant 4096 : i32
      %parallel_loop3A_61 = arith.constant 16 : i32
      scf.for %parallel_loop3A_111 = %parallel_loop3A to %parallel_loop3A_60 step %parallel_loop3A_61  : i32 {
        %parallel_loop3A_112 = arith.constant 0 : i32
        %parallel_loop3A_113 = arith.addi %parallel_loop3A_112, %parallel_loop3A_111 : i32
        %parallel_loop3A_114 = arith.index_cast %parallel_loop3A_113 : i32 to index
        %parallel_loop3A_115 = tpu.vector_load %arg6[%parallel_loop3A_114] {strides = array<i32>} : memref<16384xi32, #tpu.memory_space<vmem>>, vector<16xi32>,
        %parallel_loop3A_116 = tpu.vector_load_idx %arg5[%parallel_loop3A_115] : memref<100000xf32, #tpu.memory_space<vmem>>[vector<16xi32>], vector<16xf32>,
        %parallel_loop3A_117 = arith.index_cast %parallel_loop3A_111 : i32 to index
        %parallel_loop3A_118 = tpu.vector_load %arg7[%parallel_loop3A_117] {strides = array<i32>} : memref<4096xf32, #tpu.memory_space<vmem>>, vector<16xf32>,
        tpu.vector_store %arg7[%parallel_loop3A_117], %parallel_loop3A_116 {strides = array<i32>} : memref<4096xf32, #tpu.memory_space<vmem>>, vector<16xf32>,
      } {sc.loop_unroll_factor = 8 : i64, sc.parallel_access}
      %dma_start3A = arith.constant 0 : i32
      %dma_start3A_62 = tpu.memref_slice %arg4[%add3A_20, %dma_start3A] : memref<416x16384xf32, #tpu.memory_space<hbm>> -> memref<1x4096xf32, #tpu.memory_space<hbm>>
      %dma_start3A_63 = tpu.memref_squeeze %dma_start3A_62 : memref<1x4096xf32, #tpu.memory_space<hbm>> -> memref<4096xf32, #tpu.memory_space<hbm>>
      %dma_start3A_64 = arith.constant 0 : i32
      %dma_start3A_65 = tpu.memref_slice %arg4[%add3A_20, %dma_start3A_64] : memref<416x16384xf32, #tpu.memory_space<hbm>> -> memref<1x4096xf32, #tpu.memory_space<hbm>>
      %dma_start3A_66 = tpu.memref_squeeze %dma_start3A_65 : memref<1x4096xf32, #tpu.memory_space<hbm>> -> memref<4096xf32, #tpu.memory_space<hbm>>
      tpu.enqueue_dma source(%arg7 : memref<4096xf32, #tpu.memory_space<vmem>>) target(%dma_start3A_66 : memref<4096xf32, #tpu.memory_space<hbm>>) target_semaphore(%arg9 : memref<!tpu.dma_semaphore, #tpu.memory_space<semaphore_mem>>)
      %gt3A_67 = arith.constant 0 : i32
      %gt3A_68 = arith.cmpi sgt, %scan3A_19, %gt3A_67 : i32
      %convert_element_type3A_69 = arith.extui %gt3A_68 : i1 to i32
      %cond3A_70 = arith.constant 0 : i32
      %cond3A_71 = arith.cmpi ne, %convert_element_type3A_69, %cond3A_70 : i32
      scf.if %cond3A_71 {
        %dma_wait3A_111 = arith.constant 0 : i32
        %dma_wait3A_112 = tpu.memref_slice %arg4[%add3A_20, %dma_wait3A_111] : memref<416x16384xf32, #tpu.memory_space<hbm>> -> memref<1x4096xf32, #tpu.memory_space<hbm>>
        %dma_wait3A_113 = tpu.memref_squeeze %dma_wait3A_112 : memref<1x4096xf32, #tpu.memory_space<hbm>> -> memref<4096xf32, #tpu.memory_space<hbm>>
        %dma_wait3A_114 = arith.constant 0 : i32
        %dma_wait3A_115 = tpu.memref_slice %arg4[%add3A_20, %dma_wait3A_114] : memref<416x16384xf32, #tpu.memory_space<hbm>> -> memref<1x4096xf32, #tpu.memory_space<hbm>>
        %dma_wait3A_116 = tpu.memref_squeeze %dma_wait3A_115 : memref<1x4096xf32, #tpu.memory_space<hbm>> -> memref<4096xf32, #tpu.memory_space<hbm>>
        tpu.wait_dma2 semaphore(%arg10 : memref<!tpu.dma_semaphore, #tpu.memory_space<semaphore_mem>>) src(%arg7 : memref<4096xf32, #tpu.memory_space<vmem>>) dst(%dma_wait3A_116 : memref<4096xf32, #tpu.memory_space<hbm>>)
      } else {
      }
      %parallel_loop3A_72 = arith.constant 0 : i32
      %parallel_loop3A_73 = arith.constant 4096 : i32
      %parallel_loop3A_74 = arith.constant 16 : i32
      scf.for %parallel_loop3A_111 = %parallel_loop3A_72 to %parallel_loop3A_73 step %parallel_loop3A_74  : i32 {
        %parallel_loop3A_112 = arith.constant 4096 : i32
        %parallel_loop3A_113 = arith.addi %parallel_loop3A_112, %parallel_loop3A_111 : i32
        %parallel_loop3A_114 = arith.index_cast %parallel_loop3A_113 : i32 to index
        %parallel_loop3A_115 = tpu.vector_load %arg6[%parallel_loop3A_114] {strides = array<i32>} : memref<16384xi32, #tpu.memory_space<vmem>>, vector<16xi32>,
        %parallel_loop3A_116 = tpu.vector_load_idx %arg5[%parallel_loop3A_115] : memref<100000xf32, #tpu.memory_space<vmem>>[vector<16xi32>], vector<16xf32>,
        %parallel_loop3A_117 = arith.index_cast %parallel_loop3A_111 : i32 to index
        %parallel_loop3A_118 = tpu.vector_load %arg8[%parallel_loop3A_117] {strides = array<i32>} : memref<4096xf32, #tpu.memory_space<vmem>>, vector<16xf32>,
        tpu.vector_store %arg8[%parallel_loop3A_117], %parallel_loop3A_116 {strides = array<i32>} : memref<4096xf32, #tpu.memory_space<vmem>>, vector<16xf32>,
      } {sc.loop_unroll_factor = 8 : i64, sc.parallel_access}
      %dma_start3A_75 = arith.constant 4096 : i32
      %dma_start3A_76 = tpu.memref_slice %arg4[%add3A_20, %dma_start3A_75] : memref<416x16384xf32, #tpu.memory_space<hbm>> -> memref<1x4096xf32, #tpu.memory_space<hbm>>
      %dma_start3A_77 = tpu.memref_squeeze %dma_start3A_76 : memref<1x4096xf32, #tpu.memory_space<hbm>> -> memref<4096xf32, #tpu.memory_space<hbm>>
      %dma_start3A_78 = arith.constant 4096 : i32
      %dma_start3A_79 = tpu.memref_slice %arg4[%add3A_20, %dma_start3A_78] : memref<416x16384xf32, #tpu.memory_space<hbm>> -> memref<1x4096xf32, #tpu.memory_space<hbm>>
      %dma_start3A_80 = tpu.memref_squeeze %dma_start3A_79 : memref<1x4096xf32, #tpu.memory_space<hbm>> -> memref<4096xf32, #tpu.memory_space<hbm>>
      tpu.enqueue_dma source(%arg8 : memref<4096xf32, #tpu.memory_space<vmem>>) target(%dma_start3A_80 : memref<4096xf32, #tpu.memory_space<hbm>>) target_semaphore(%arg10 : memref<!tpu.dma_semaphore, #tpu.memory_space<semaphore_mem>>)
      %dma_wait3A_81 = arith.constant 0 : i32
      %dma_wait3A_82 = tpu.memref_slice %arg4[%add3A_20, %dma_wait3A_81] : memref<416x16384xf32, #tpu.memory_space<hbm>> -> memref<1x4096xf32, #tpu.memory_space<hbm>>
      %dma_wait3A_83 = tpu.memref_squeeze %dma_wait3A_82 : memref<1x4096xf32, #tpu.memory_space<hbm>> -> memref<4096xf32, #tpu.memory_space<hbm>>
      %dma_wait3A_84 = arith.constant 0 : i32
      %dma_wait3A_85 = tpu.memref_slice %arg4[%add3A_20, %dma_wait3A_84] : memref<416x16384xf32, #tpu.memory_space<hbm>> -> memref<1x4096xf32, #tpu.memory_space<hbm>>
      %dma_wait3A_86 = tpu.memref_squeeze %dma_wait3A_85 : memref<1x4096xf32, #tpu.memory_space<hbm>> -> memref<4096xf32, #tpu.memory_space<hbm>>
      tpu.wait_dma2 semaphore(%arg9 : memref<!tpu.dma_semaphore, #tpu.memory_space<semaphore_mem>>) src(%arg7 : memref<4096xf32, #tpu.memory_space<vmem>>) dst(%dma_wait3A_86 : memref<4096xf32, #tpu.memory_space<hbm>>)
      %parallel_loop3A_87 = arith.constant 0 : i32
      %parallel_loop3A_88 = arith.constant 4096 : i32
      %parallel_loop3A_89 = arith.constant 16 : i32
      scf.for %parallel_loop3A_111 = %parallel_loop3A_87 to %parallel_loop3A_88 step %parallel_loop3A_89  : i32 {
        %parallel_loop3A_112 = arith.constant 8192 : i32
        %parallel_loop3A_113 = arith.addi %parallel_loop3A_112, %parallel_loop3A_111 : i32
        %parallel_loop3A_114 = arith.index_cast %parallel_loop3A_113 : i32 to index
        %parallel_loop3A_115 = tpu.vector_load %arg6[%parallel_loop3A_114] {strides = array<i32>} : memref<16384xi32, #tpu.memory_space<vmem>>, vector<16xi32>,
        %parallel_loop3A_116 = tpu.vector_load_idx %arg5[%parallel_loop3A_115] : memref<100000xf32, #tpu.memory_space<vmem>>[vector<16xi32>], vector<16xf32>,
        %parallel_loop3A_117 = arith.index_cast %parallel_loop3A_111 : i32 to index
        %parallel_loop3A_118 = tpu.vector_load %arg7[%parallel_loop3A_117] {strides = array<i32>} : memref<4096xf32, #tpu.memory_space<vmem>>, vector<16xf32>,
        tpu.vector_store %arg7[%parallel_loop3A_117], %parallel_loop3A_116 {strides = array<i32>} : memref<4096xf32, #tpu.memory_space<vmem>>, vector<16xf32>,
      } {sc.loop_unroll_factor = 8 : i64, sc.parallel_access}
      %dma_start3A_90 = arith.constant 8192 : i32
      %dma_start3A_91 = tpu.memref_slice %arg4[%add3A_20, %dma_start3A_90] : memref<416x16384xf32, #tpu.memory_space<hbm>> -> memref<1x4096xf32, #tpu.memory_space<hbm>>
      %dma_start3A_92 = tpu.memref_squeeze %dma_start3A_91 : memref<1x4096xf32, #tpu.memory_space<hbm>> -> memref<4096xf32, #tpu.memory_space<hbm>>
      %dma_start3A_93 = arith.constant 8192 : i32
      %dma_start3A_94 = tpu.memref_slice %arg4[%add3A_20, %dma_start3A_93] : memref<416x16384xf32, #tpu.memory_space<hbm>> -> memref<1x4096xf32, #tpu.memory_space<hbm>>
      %dma_start3A_95 = tpu.memref_squeeze %dma_start3A_94 : memref<1x4096xf32, #tpu.memory_space<hbm>> -> memref<4096xf32, #tpu.memory_space<hbm>>
      tpu.enqueue_dma source(%arg7 : memref<4096xf32, #tpu.memory_space<vmem>>) target(%dma_start3A_95 : memref<4096xf32, #tpu.memory_space<hbm>>) target_semaphore(%arg9 : memref<!tpu.dma_semaphore, #tpu.memory_space<semaphore_mem>>)
      %dma_wait3A_96 = arith.constant 0 : i32
      %dma_wait3A_97 = tpu.memref_slice %arg4[%add3A_20, %dma_wait3A_96] : memref<416x16384xf32, #tpu.memory_space<hbm>> -> memref<1x4096xf32, #tpu.memory_space<hbm>>
      %dma_wait3A_98 = tpu.memref_squeeze %dma_wait3A_97 : memref<1x4096xf32, #tpu.memory_space<hbm>> -> memref<4096xf32, #tpu.memory_space<hbm>>
      %dma_wait3A_99 = arith.constant 0 : i32
      %dma_wait3A_100 = tpu.memref_slice %arg4[%add3A_20, %dma_wait3A_99] : memref<416x16384xf32, #tpu.memory_space<hbm>> -> memref<1x4096xf32, #tpu.memory_space<hbm>>
      %dma_wait3A_101 = tpu.memref_squeeze %dma_wait3A_100 : memref<1x4096xf32, #tpu.memory_space<hbm>> -> memref<4096xf32, #tpu.memory_space<hbm>>
      tpu.wait_dma2 semaphore(%arg10 : memref<!tpu.dma_semaphore, #tpu.memory_space<semaphore_mem>>) src(%arg7 : memref<4096xf32, #tpu.memory_space<vmem>>) dst(%dma_wait3A_101 : memref<4096xf32, #tpu.memory_space<hbm>>)
      %parallel_loop3A_102 = arith.constant 0 : i32
      %parallel_loop3A_103 = arith.constant 4096 : i32
      %parallel_loop3A_104 = arith.constant 16 : i32
      scf.for %parallel_loop3A_111 = %parallel_loop3A_102 to %parallel_loop3A_103 step %parallel_loop3A_104  : i32 {
        %parallel_loop3A_112 = arith.constant 12288 : i32
        %parallel_loop3A_113 = arith.addi %parallel_loop3A_112, %parallel_loop3A_111 : i32
        %parallel_loop3A_114 = arith.index_cast %parallel_loop3A_113 : i32 to index
        %parallel_loop3A_115 = tpu.vector_load %arg6[%parallel_loop3A_114] {strides = array<i32>} : memref<16384xi32, #tpu.memory_space<vmem>>, vector<16xi32>,
        %parallel_loop3A_116 = tpu.vector_load_idx %arg5[%parallel_loop3A_115] : memref<100000xf32, #tpu.memory_space<vmem>>[vector<16xi32>], vector<16xf32>,
        %parallel_loop3A_117 = arith.index_cast %parallel_loop3A_111 : i32 to index
        %parallel_loop3A_118 = tpu.vector_load %arg8[%parallel_loop3A_117] {strides = array<i32>} : memref<4096xf32, #tpu.memory_space<vmem>>, vector<16xf32>,
        tpu.vector_store %arg8[%parallel_loop3A_117], %parallel_loop3A_116 {strides = array<i32>} : memref<4096xf32, #tpu.memory_space<vmem>>, vector<16xf32>,
      } {sc.loop_unroll_factor = 8 : i64, sc.parallel_access}
      %dma_start3A_105 = arith.constant 12288 : i32
      %dma_start3A_106 = tpu.memref_slice %arg4[%add3A_20, %dma_start3A_105] : memref<416x16384xf32, #tpu.memory_space<hbm>> -> memref<1x4096xf32, #tpu.memory_space<hbm>>
      %dma_start3A_107 = tpu.memref_squeeze %dma_start3A_106 : memref<1x4096xf32, #tpu.memory_space<hbm>> -> memref<4096xf32, #tpu.memory_space<hbm>>
      %dma_start3A_108 = arith.constant 12288 : i32
      %dma_start3A_109 = tpu.memref_slice %arg4[%add3A_20, %dma_start3A_108] : memref<416x16384xf32, #tpu.memory_space<hbm>> -> memref<1x4096xf32, #tpu.memory_space<hbm>>
      %dma_start3A_110 = tpu.memref_squeeze %dma_start3A_109 : memref<1x4096xf32, #tpu.memory_space<hbm>> -> memref<4096xf32, #tpu.memory_space<hbm>>
      tpu.enqueue_dma source(%arg8 : memref<4096xf32, #tpu.memory_space<vmem>>) target(%dma_start3A_110 : memref<4096xf32, #tpu.memory_space<hbm>>) target_semaphore(%arg10 : memref<!tpu.dma_semaphore, #tpu.memory_space<semaphore_mem>>)
    }
    %scan3A_7 = arith.constant 13 : i32
    %dma_wait3A = arith.constant 0 : i32
    %dma_wait3A_8 = tpu.memref_slice %arg4[%mul3A_2, %dma_wait3A] : memref<416x16384xf32, #tpu.memory_space<hbm>> -> memref<1x4096xf32, #tpu.memory_space<hbm>>
    %dma_wait3A_9 = tpu.memref_squeeze %dma_wait3A_8 : memref<1x4096xf32, #tpu.memory_space<hbm>> -> memref<4096xf32, #tpu.memory_space<hbm>>
    %dma_wait3A_10 = arith.constant 0 : i32
    %dma_wait3A_11 = tpu.memref_slice %arg4[%mul3A_2, %dma_wait3A_10] : memref<416x16384xf32, #tpu.memory_space<hbm>> -> memref<1x4096xf32, #tpu.memory_space<hbm>>
    %dma_wait3A_12 = tpu.memref_squeeze %dma_wait3A_11 : memref<1x4096xf32, #tpu.memory_space<hbm>> -> memref<4096xf32, #tpu.memory_space<hbm>>
    tpu.wait_dma2 semaphore(%arg9 : memref<!tpu.dma_semaphore, #tpu.memory_space<semaphore_mem>>) src(%arg7 : memref<4096xf32, #tpu.memory_space<vmem>>) dst(%dma_wait3A_12 : memref<4096xf32, #tpu.memory_space<hbm>>)
    %dma_wait3A_13 = arith.constant 0 : i32
    %dma_wait3A_14 = tpu.memref_slice %arg4[%mul3A_2, %dma_wait3A_13] : memref<416x16384xf32, #tpu.memory_space<hbm>> -> memref<1x4096xf32, #tpu.memory_space<hbm>>
    %dma_wait3A_15 = tpu.memref_squeeze %dma_wait3A_14 : memref<1x4096xf32, #tpu.memory_space<hbm>> -> memref<4096xf32, #tpu.memory_space<hbm>>
    %dma_wait3A_16 = arith.constant 0 : i32
    %dma_wait3A_17 = tpu.memref_slice %arg4[%mul3A_2, %dma_wait3A_16] : memref<416x16384xf32, #tpu.memory_space<hbm>> -> memref<1x4096xf32, #tpu.memory_space<hbm>>
    %dma_wait3A_18 = tpu.memref_squeeze %dma_wait3A_17 : memref<1x4096xf32, #tpu.memory_space<hbm>> -> memref<4096xf32, #tpu.memory_space<hbm>>
    tpu.wait_dma2 semaphore(%arg10 : memref<!tpu.dma_semaphore, #tpu.memory_space<semaphore_mem>>) src(%arg7 : memref<4096xf32, #tpu.memory_space<vmem>>) dst(%dma_wait3A_18 : memref<4096xf32, #tpu.memory_space<hbm>>)
    return
  }
}

</mosaic_0001>

<sc_bundles>
// kernel: kernel.3.cloned.1.call-start
scs
__scs_entry_jumppad:
0x0: {  	(pc) =	sbr.rel $0x88, $3  }
0x1: {  	(tag) =	ssettag $0x0;
	lr =	simm.s32 $0x1  }
0x2: {  	[smem:$0x3F9F] =	sst lr;
	_ =	strace $0xD0000000  }
0x3: {  	_ = 	snop  }
0x4: {  	_ = 	snop  }
0x5: {  	_ = 	snop  }
0x6: {  	_ = 	snop  }
0x7: {  	_ = 	snop  }
__scs_overlays_trampoline_lowered:
0x8: {  	[smem:$0x3FAE] =	sst s0  }
0x9: {  	[smem:$0x3FAF] =	sst s1  }
0xa: {  	[smem:$0x3FB0] =	sst s2  }
0xb: {  	[smem:$0x3FB1] =	sst s3  }
0xc: {  	[smem:$0x3FB2] =	sst s4  }
0xd: {  	[smem:$0x3FB3] =	sst s5  }
0xe: {  	[smem:$0x3FB4] =	sst s6  }
0xf: {  	[smem:$0x3FB5] =	sst s7  }
0x10: {  	[smem:$0x3FB6] =	sst s8  }
0x11: {  	[smem:$0x3FB7] =	sst s9;
	s0 =	simm.s32 @!p0 $0x0  }
0x12: {  	s1 =	sld [smem:$0x3F9D];
	s0 =	simm.s32 @p0 $0x1  }
0x13: {  	[smem:$0x3FB8] =	sst s0;
	s0 =	simm.s32 @!p1 $0x0  }
0x14: {  	s2 =	sld [smem:$0x3F9C];
	s0 =	simm.s32 @p1 $0x1  }
0x15: {  	[smem:$0x3FB9] =	sst s0;
	s0 =	simm.s32 @!p2 $0x0  }
0x16: {  	s3 =	sld [smem:$0x3FDB];
	s0 =	simm.s32 @p2 $0x1  }
0x17: {  	s4 =	simm.s32 $0x1BF5;
	[smem:$0x3FBB] =	sst s0  }
0x18: {  	s0 =	sld [smem:$0x3F9E];
	_ =	swait.ge [sflag:s4], $0x0  }
0x19: {  	s7 =	sld [smem:$0x3F9F]  }
0x1a: {  	s8 =	sadd.s32 $0xFFFFE003, lr  }
0x1b: {  	s9 =	sadd.s32 $0xFFFFFEF7, lr;
	s5 =	simm.s32 $0xFFFFFFFF;
	p2 =	slt.u32 s8, $0xFFFFF086  }
0x1c: {  	p1 =	slt.u32 s9, $0xF7A;
	s5 =	simm.s32 @!p2 $0x0  }
0x1d: {  	s5 =	simm.s32 @p1 $0x1;
	p0 =	seq.s32 s7, s2  }
0x1e: {  	s7 =	smul.u32 @!p0 $0xF7A, s2;
	p2 =	seq.s32 @!p0 s5, $0x0  }
0x1f: {  	s9 =	smul.u32 $0xF7A, s1;
	s8 =	simm.s32 @!p0 $0x1BF5;
	p2 =	por !p2, p0  }
0x20: {  	[sflag:s8] =	ssyncset.s32 @!p0 $0xFFFFF086;
	s6 =	sadd.s32 @!p0 s3, s7;
	s7 =	simm.s32 @!p0 $0x108  }
0x21: {  	s3 =	sadd.s32 s3, s9;
	s6 =	sadd.s32 @!p0 $0x88, s6;
	s7 =	simm.s32 @p2 $0x1082  }
0x22: {  	[simem:s7], [sflag:s8] =	dma.local @!p0 [hbm:s6], $0xF7A  }
0x23: {  	s9 =	sor.u32 $0xD0000000, s2;
	s6 =	simm.s32 $0x108;
	_ =	swait.ge @!p0 [sflag:s8], $0x0  }
0x24: {  	s3 =	sadd.s32 $0x88, s3;
	s6 =	simm.s32 @!p1 $0x1082;
	[sflag:s4] =	ssyncset.s32 $0xFFFFF086  }
0x25: {  	[simem:s6], [sflag:s4] =	dma.local [hbm:s3], $0xF7A  }
0x26: {  	[smem:$0x3F9F] =	sst s1;
	(tag) =	ssettag s2;
	_ =	strace s9  }
0x27: {  	s1 =	sld [smem:$0x3FAF]  }
0x28: {  	s2 =	sld [smem:$0x3FB0]  }
0x29: {  	s4 =	sld [smem:$0x3FB2]  }
0x2a: {  	p0 =	seq.s32 s5, $0x0;
	s5 =	sld [smem:$0x3FB3]  }
0x2b: {  	s6 =	sld [smem:$0x3FB4]  }
0x2c: {  	s7 =	sld [smem:$0x3FB5]  }
0x2d: {  	s3 =	simm.s32 $0x108;
	s8 =	sld [smem:$0x3FB6]  }
0x2e: {  	s3 =	simm.s32 @!p0 $0x1082;
	s9 =	sld [smem:$0x3FB7]  }
0x2f: {  	lr =	sadd.s32 s0, s3;
	s0 =	sld [smem:$0x3FAE]  }
0x30: {  	s3 =	sld [smem:$0x3FB1]  }
0x31: {  	[smem:$0x3FBA] =	sst s10  }
0x32: {  	s10 =	sld [smem:$0x3FB8];
	_ =	sdelay $0x3  }
0x33: {  	p0 =	seq.s32 s10, $0x1;
	s10 =	sld [smem:$0x3FBA];
	_ =	sdelay $0x3  }
0x34: {  	[smem:$0x3FBA] =	sst s10  }
0x35: {  	s10 =	sld [smem:$0x3FB9];
	_ =	sdelay $0x3  }
0x36: {  	p1 =	seq.s32 s10, $0x1;
	s10 =	sld [smem:$0x3FBA];
	_ =	sdelay $0x3  }
0x37: {  	[smem:$0x3FBA] =	sst s10  }
0x38: {  	s10 =	sld [smem:$0x3FBB]  }
0x39: {  	_ = 	snop;
	(pc) =	sbr.ind lr, $3  }
0x3a: {  	_ = 	snop  }
0x3b: {  	_ = 	snop  }
0x3c: {  	p2 =	seq.s32 s10, $0x1;
	s10 =	sld [smem:$0x3FBA]  }
0x3d: {  	_ =	shalt  }
0x3e: {  	_ =	shalt  }
0x3f: {  	_ =	shalt  }
0x40: {  	_ =	shalt  }
0x41: {  	_ =	shalt  }
0x42: {  	_ =	shalt  }
0x43: {  	_ =	shalt  }
0x44: {  	_ =	shalt  }
0x45: {  	_ =	shalt  }
0x46: {  	_ =	shalt  }
0x47: {  	_ =	shalt  }
0x48: {  	_ =	shalt  }
0x49: {  	_ =	shalt  }
0x4a: {  	_ =	shalt  }
0x4b: {  	_ =	shalt  }
0x4c: {  	_ =	shalt  }
0x4d: {  	_ =	shalt  }
0x4e: {  	_ =	shalt  }
0x4f: {  	_ =	shalt  }
0x50: {  	_ =	shalt  }
0x51: {  	_ =	shalt  }
0x52: {  	_ =	shalt  }
0x53: {  	_ =	shalt  }
0x54: {  	_ =	shalt  }
0x55: {  	_ =	shalt  }
0x56: {  	_ =	shalt  }
0x57: {  	_ =	shalt  }
0x58: {  	_ =	shalt  }
0x59: {  	_ =	shalt  }
0x5a: {  	_ =	shalt  }
0x5b: {  	_ =	shalt  }
0x5c: {  	_ =	shalt  }
0x5d: {  	_ =	shalt  }
0x5e: {  	_ =	shalt  }
0x5f: {  	_ =	shalt  }
0x60: {  	_ =	shalt  }
0x61: {  	_ =	shalt  }
0x62: {  	_ =	shalt  }
0x63: {  	_ =	shalt  }
0x64: {  	_ =	shalt  }
0x65: {  	_ =	shalt  }
0x66: {  	_ =	shalt  }
0x67: {  	_ =	shalt  }
0x68: {  	_ =	shalt  }
0x69: {  	_ =	shalt  }
0x6a: {  	_ =	shalt  }
0x6b: {  	_ =	shalt  }
0x6c: {  	_ =	shalt  }
0x6d: {  	_ =	shalt  }
0x6e: {  	_ =	shalt  }
0x6f: {  	_ =	shalt  }
0x70: {  	_ =	shalt  }
0x71: {  	_ =	shalt  }
0x72: {  	_ =	shalt  }
0x73: {  	_ =	shalt  }
0x74: {  	_ =	shalt  }
0x75: {  	_ =	shalt  }
0x76: {  	_ =	shalt  }
0x77: {  	_ =	shalt  }
0x78: {  	_ =	shalt  }
0x79: {  	_ =	shalt  }
0x7a: {  	_ =	shalt  }
0x7b: {  	_ =	shalt  }
0x7c: {  	_ =	shalt  }
0x7d: {  	_ =	shalt  }
0x7e: {  	_ =	shalt  }
0x7f: {  	_ =	shalt  }
0x80: {  	_ =	shalt  }
0x81: {  	_ =	shalt  }
0x82: {  	_ =	shalt  }
0x83: {  	_ =	shalt  }
0x84: {  	_ =	shalt  }
0x85: {  	_ =	shalt  }
0x86: {  	_ =	shalt  }
0x87: {  	_ =	shalt  }
.Lfunc_end0:
.L_simem_size_0:
called_computation_lowered:
.L_overlay_start_0:
0x88: {  	s2 =	sld [smem:$0x3FD9]  }
0x89: {  	s3 =	sld [smem:$0x3FFE];
	_ =	sdelay $0x1  }
0x8a: {  	s1 =	srdreg.scid  }
0x8b: {  	s0 =	sand.u32 $0x1, s1  }
0x8c: {  	s18 =	sshll.u32 s0, $0xA;
	s2 =	sadd.s32 s3, s2  }
0x8d: {  	s2 =	sadd.s32 s2, s18  }
0x8e: {  	[smem:$0x3FC6] =	sst s2  }
0x8f: {  	_ = 	snop  }
0x90: {  	s2 =	sld [smem:$0x3FC9]  }
0x91: {  	s19 =	sld [smem:$0x3FC8]  }
0x92: {  	s4 =	sld [smem:$0x3FD0];
	(tm) =	ssettm $0x1  }
0x93: {  	s5 =	sld [smem:$0x3FFB];
	_ =	sdelay $0x3  }
0x94: {  	_ =	strace s5  }
0x95: {  	s5 =	sld [smem:$0x3FFC];
	_ =	sdelay $0x3  }
0x96: {  	_ =	strace s5  }
0x97: {  	s5 =	sld [smem:$0x3FFD];
	_ =	sdelay $0x3  }
0x98: {  	_ =	strace s5  }
0x99: {  	_ =	strace $0x8FFFFFFF  }
0x9a: {  	s20 =	sld [smem:$0x3FDB];
	_ =	sdelay $0x1  }
0x9b: {  	s6 =	simm.s32 $_scs_section_size  }
0x9c: {  	s7 =	simm.s32 $_size__tile_overlayer_lowered;
	s8 =	simm.s32 $_tile_overlayer_lowered  }
0x9d: {  	s23 =	simm.s32 $0x1BFF;
	s22 =	sshll.u32 s8, $0x1;
	s5 =	sadd.s32 s6, s20  }
0x9e: {  	s9 =	simm.s32 $0x0;
	s21 =	sshll.u32 s7, $0x1;
	s7 =	sadd.s32 s22, s5  }
0x9f: {  	[timem:s9], [sflag:s23] =	dma.local [hbm:s7], s21  }
0xa0: {  	_ =	swait.ge [sflag:s23], s21  }
0xa1: {  	s6 =	ssub.s32 $0x0, s21;
	[sflag:s23] =	ssyncset.done $0x0  }
0xa2: {  	[sflag:s23] =	ssyncadd.s32 s6;
	_ =	sdelay $0x1  }
0xa3: {  	s24 =	simm.s32 $0x1B8B  }
0xa4: {  	_ =	swait.ge [sflag:s24], $0x1  }
0xa5: {  	[sflag:s24] =	ssyncset.done $0x0  }
0xa6: {  	s25 =	simm.s32 $0x1B8E;
	[sflag:s24] =	ssyncadd.s32 $0xFFFFFFFF  }
0xa7: {  	s26 =	simm.s32 $execute0_lowered;
	[smem:$0x3FD2] =	sst s25  }
0xa8: {  	s6 =	sshll.u32 s26, $0x1;
	_ =	strace $0x80000046;
	[dreg:$0x1] =	wrdreg $0xFFFFFFFF  }
0xa9: {  	s28 =	simm.s32 $_size_execute0_lowered;
	s5 =	sadd.s32 s5, s6;
	[dreg:$0x0] =	wrdreg $0x0  }
0xaa: {  	s6 =	sshll.u32 s28, $0x1;
	[dreg:$0x2] =	wrdreg s5  }
0xab: {  	[dreg:$0x3] =	wrdreg s6  }
0xac: {  	[dreg:$0x4] =	wrdreg $0xC0  }
0xad: {  	_ =	task [dreg:s9], $0x5FFFF  }
0xae: {  	[dreg:$0x1] =	wrdreg $0xFFFFFFFF  }
0xaf: {  	[dreg:$0x0] =	wrdreg $0x60  }
0xb0: {  	[dreg:$0x2] =	wrdreg s2  }
0xb1: {  	[dreg:$0x3] =	wrdreg s19  }
0xb2: {  	[dreg:$0x4] =	wrdreg s4  }
0xb3: {  	[dreg:$0x5] =	wrdreg $0x9  }
0xb4: {  	_ =	task.clear_ibuf [dreg:s9], $0x6FFFF;
	_ =	strace $0x90000046  }
0xb5: {  	s29 =	simm.s32 $0x9;
	_ =	strace $0x80000048  }
0xb6: {  	_ =	swait.ge [sflag:s29], $0x1  }
0xb7: {  	[sflag:s29] =	ssyncadd.s32 $0xFFFFFFFF  }
0xb8: {  	_ =	strace $0x90000048  }
0xb9: {  	_ =	sfence  }
0xba: {  	s30 =	sld [smem:$0x0];
	_ =	sdelay $0x2  }
0xbb: {  	s31 =	sshll.u32 s1, $0xD;
	s1 =	sshrl.u32 s1, $0x2  }
0xbc: {  	s3 =	sand.u32 $0x4000, s31;
	s1 =	sadd.s32 s1, s30  }
0xbd: {  	s0 =	sor.u32 s3, s0;
	s1 =	sshll.u32 s1, $0x11  }
0xbe: {  	s0 =	sor.u32 s1, s0  }
0xbf: {  	s0 =	sadd.s32 $0x8F2B, s0  }
0xc0: {  	[sflag:s0] =	ssyncadd.remote.s32 $0x1  }
0xc1: {  	_ =	sfence.sel $0xFFFF  }
0xc2: {  	[dreg:$0x0] =	wrdreg $0xFFFFFFFF;
	(pc) =	sbr.abs _section_cstart, $3  }
0xc3: {  	[dreg:$0x1] =	wrdreg $0xFFFFFFFF  }
0xc4: {  	_ =	task.clear_ibuf [dreg:s9], $0x2FFFF;
	_ =	strace $0x9FFFFFFF  }
0xc5: {  	(tm) =	ssettm $0x7FFFFFFF  }
tec
execute0_lowered:
.L_overlay_start_1:
0x0: {  	(tag) =	ssettag $0x1  }
0x1: {  	s1 =	rddreg [dreg:$0x0]  }
0x2: {  	s3 =	rddreg [dreg:$0x1]  }
0x3: {  	s4 =	rddreg [dreg:$0x2];
	s5 =	srdreg.scid  }
0x4: {  	s0 =	rddreg [dreg:$0x3];
	s2 =	stileid.u32;
	s11 =	simm.s32 $0x80  }
0x5: {  	s12 =	simm.s32 $0x400;
	s13 =	simm.s32 $0x3;
	s14 =	simm.s32 $0x1C700  }
0x6: {  	s15 =	simm.s32 $0x1D700;
	s16 =	simm.s32 $0x1;
	s17 =	simm.s32 $0x2  }
0x7: {  	s18 =	simm.s32 $0x0;
	s6 =	sand.u32 $0x1, s5;
	s5 =	simm.s32 $0x0  }
0x8: {  	s8 =	sshll.u32 s2, $0x1;
	s7 =	ssub.s32 $0x2, s6;
	[smem:$0x7FF] =	sst s5  }
0x9: {  	s6 =	sor.u32 s6, s8;
	s8 =	sadd.s32 $0x2000, s4;
	s9 =	sshrl.u32 s7, $0x1  }
0xa: {  	_ =	strace $0x80000047;
	s6 =	smul.u32 $0xD, s6;
	s10 =	ssub.s32 s7, s9  }
0xb: {  	s7 =	sadd.s32 $0x1000, s4;
	s9 =	sadd.s32 $0x3000, s4;
	s10 =	smax.u32 s10, $0x1  }
.LBB2_1:
0xc: {  	s19 =	simm.s32 $0x0  }
.LBB2_2:
0xd: {  	s22 =	sadd.s32 s6, s19  }
0xe: {  	s20 =	sshrl.u32 s22, $0x3  }
0xf: {  	s23 =	sshll.u32 s22, $0x7;
	s24 =	smul.u32 $0xC3800, s20  }
0x10: {  	s21 =	sand.u32 $0x380, s23  }
0x11: {  	s24 =	sor.u32 s21, s24  }
0x12: {  	s24 =	sshrl.u32 s24, $0x3  }
0x13: {  	s24 =	sadd.s32 s3, s24  }
0x14: {  	[tilespmem:s5], [sflag:$0x3] =	stream.strided.gather [hbm4b:s24+s11], $0x18700, s12, s11, $0x38;
	[tilespmem:$0x1E700] =	vst v63  }
0x15: {  	p0 =	seq.s32 s19, $0x0;
	s24 =	sand.u32 $0xF, s22  }
0x16: {  	p1 =	sne.s32 @!p0 s24, $0x0  }
0x17: {  	_ =	swait.ge [sflag:s13], $0x18700;
	p1 =	por p0, !p1  }
0x18: {  	[sflag:s13] =	ssyncset.done $0x0;
	s22 =	sand.u32 @p1 $0x70, s22;
	s23 =	sand.u32 @p1 $0xFFFC000, s23  }
0x19: {  	[sflag:s13] =	ssyncadd.s32 $0xFFFE7900;
	s24 =	simm.s32 @p1 $0x400;
	s22 =	sadd.s32 @p1 s1, s22  }
0x1a: {  	s25 =	simm.s32 @p1 $0x18700;
	s22 =	sadd.s32 @p1 s23, s22;
	s23 =	simm.s32 @p1 $0x80  }
0x1b: {  	[tilespmem:s25], [sflag:$0x3] =	stream.strided.gather @p1 [hbm4b:s22+s23], $0x4000, s24, s23, $0x38;
	[tilespmem:$0x1E700] =	vst v63  }
0x1c: {  	s22 =	simm.s32 @p1 $0x3  }
0x1d: {  	_ =	swait.ge @p1 [sflag:s22], $0x4000  }
0x1e: {  	p2 =	seq.s32 @p1 s19, $0x0;
	[sflag:s22] =	ssyncset.done @p1 $0x0  }
0x1f: {  	p2 =	por !p1, !p2;
	[sflag:s22] =	ssyncadd.s32 @p1 $0xFFFFC000  }
0x20: {  	_ =	swait.ge @p2 [sflag:s16], $0x1000  }
0x21: {  	[sflag:s16] =	ssyncset.done @p2 $0x0  }
0x22: {  	s31 =	simm.s32 $0x18740;
	[sflag:s16] =	ssyncadd.s32 @p2 $0xFFFFF000  }
0x23: {  	v0 =	vld [tilespmem:s31+$0x30]  }
0x24: {  	v1 =	vld [tilespmem:s31+$0xFFFFFFD0]  }
0x25: {  	v2 =	vld [tilespmem:s31+$0xFFFFFFE0]  }
0x26: {  	v3 =	vld [tilespmem:s31+$0xFFFFFFF0]  }
0x27: {  	v6 =	vld [tilespmem:s31+$0x0]  }
0x28: {  	v7 =	vld [tilespmem:s31+$0x10]  }
0x29: {  	v8 =	vld [tilespmem:s31+$0x20]  }
0x2a: {  	v9 =	vld [tilespmem:s31+$0xFFFFFFC0]  }
0x2b: {  	v10 =	vld.idx.msk [tilespmem:v0+s5+$0x0], $0xffff  }
0x2c: {  	v11 =	vld.idx.msk [tilespmem:v1+s5+$0x0], $0xffff  }
0x2d: {  	v5 =	vld.idx.msk [tilespmem:v2+s5+$0x0], $0xffff  }
0x2e: {  	v4 =	vld.idx.msk [tilespmem:v3+s5+$0x0], $0xffff  }
0x2f: {  	v3 =	vld.idx.msk [tilespmem:v6+s5+$0x0], $0xffff  }
0x30: {  	s22 =	simm.s32 $0x1C740;
	v1 =	vld.idx.msk [tilespmem:v7+s5+$0x0], $0xffff  }
0x31: {  	v0 =	vld.idx.msk [tilespmem:v8+s5+$0x0], $0xffff;
	[tilespmem:s22+$0x30] =	vst v10  }
0x32: {  	s23 =	simm.s32 $0x0;
	s24 =	simm.s32 $0x187C0;
	v2 =	vld.idx.msk [tilespmem:v9+s5+$0x0], $0xffff;
	[tilespmem:s22+$0xFFFFFFD0] =	vst v11  }
.LBB2_3:
0x33: {  	v6 =	vld [tilespmem:s24+$0x30];
	s23 =	sadd.s32 $0x80, s23;
	[tilespmem:s22+$0xFFFFFFE0] =	vst v5  }
0x34: {  	v5 =	vld [tilespmem:s24+$0xFFFFFFD0];
	p1 =	slt.u32 s23, $0xF80;
	[tilespmem:s22+$0xFFFFFFF0] =	vst v4  }
0x35: {  	v4 =	vld [tilespmem:s24+$0xFFFFFFE0];
	[tilespmem:s22+$0x0] =	vst v3  }
0x36: {  	v3 =	vld [tilespmem:s24+$0xFFFFFFF0];
	[tilespmem:s22+$0x10] =	vst v1  }
0x37: {  	v1 =	vld [tilespmem:s24+$0x0];
	[tilespmem:s22+$0x20] =	vst v0  }
0x38: {  	v0 =	vld [tilespmem:s24+$0x10];
	[tilespmem:s22+$0xFFFFFFC0] =	vst v2  }
0x39: {  	v2 =	vld [tilespmem:s24+$0x20]  }
0x3a: {  	v7 =	vld [tilespmem:s24+$0xFFFFFFC0]  }
0x3b: {  	v6 =	vld.idx.msk [tilespmem:v6+s5+$0x0], $0xffff  }
0x3c: {  	v8 =	vld.idx.msk [tilespmem:v5+s5+$0x0], $0xffff  }
0x3d: {  	v5 =	vld.idx.msk [tilespmem:v4+s5+$0x0], $0xffff  }
.Ltmp0:
0x3e: {  	v4 =	vld.idx.msk [tilespmem:v3+s5+$0x0], $0xffff;
	(pc) =	sbr.rel @p1 .LBB2_3-.Ltmp0, $4  }
0x3f: {  	v3 =	vld.idx.msk [tilespmem:v1+s5+$0x0], $0xffff  }
0x40: {  	s22 =	sadd.s32 $0x80, s22;
	v1 =	vld.idx.msk [tilespmem:v0+s5+$0x0], $0xffff  }
0x41: {  	v0 =	vld.idx.msk [tilespmem:v2+s5+$0x0], $0xffff;
	[tilespmem:s22+$0x30] =	vst v6  }
0x42: {  	s24 =	sadd.s32 $0x80, s24;
	v2 =	vld.idx.msk [tilespmem:v7+s5+$0x0], $0xffff;
	[tilespmem:s22+$0xFFFFFFD0] =	vst v8  }
0x43: {  	[tilespmem:s22+$0xFFFFFFE0] =	vst v5  }
0x44: {  	[tilespmem:s22+$0xFFFFFFF0] =	vst v4  }
0x45: {  	s20 =	sshll.u32 s20, $0x11;
	[tilespmem:s22+$0x0] =	vst v3  }
0x46: {  	s20 =	sor.u32 s21, s20;
	[tilespmem:s22+$0x10] =	vst v1  }
0x47: {  	s20 =	sshrl.u32 s20, $0x3;
	[tilespmem:s22+$0x20] =	vst v0  }
0x48: {  	s21 =	simm.s32 @!p0 $0x2;
	s30 =	sadd.s32 s4, s20;
	[tilespmem:s22+$0xFFFFFFC0] =	vst v2  }
0x49: {  	[hbm4b:s30+s11] =	stream.strided.scatter [tilespmem:s14], [sflag:$0x1], $0x1000, s12, s11, $0x38;
	[tilespmem:$0x1E700] =	vst v63  }
0x4a: {  	_ =	swait.ge @!p0 [sflag:s21], $0x1000  }
0x4b: {  	[sflag:s21] =	ssyncset.done @!p0 $0x0  }
0x4c: {  	s31 =	simm.s32 $0x19770;
	[sflag:s21] =	ssyncadd.s32 @!p0 $0xFFFFF000  }
0x4d: {  	v0 =	vld [tilespmem:s31+$0x0]  }
0x4e: {  	v1 =	vld [tilespmem:s31+$0xFFFFFFA0]  }
0x4f: {  	v2 =	vld [tilespmem:s31+$0xFFFFFFB0]  }
0x50: {  	v3 =	vld [tilespmem:s31+$0xFFFFFFC0]  }
0x51: {  	v4 =	vld [tilespmem:s31+$0xFFFFFFD0]  }
0x52: {  	v6 =	vld [tilespmem:s31+$0xFFFFFFE0]  }
0x53: {  	v7 =	vld [tilespmem:s31+$0xFFFFFFF0]  }
0x54: {  	v8 =	vld [tilespmem:s31+$0xFFFFFF90]  }
0x55: {  	v9 =	vld.idx.msk [tilespmem:v0+s5+$0x0], $0xffff  }
0x56: {  	v10 =	vld.idx.msk [tilespmem:v1+s5+$0x0], $0xffff  }
0x57: {  	v5 =	vld.idx.msk [tilespmem:v2+s5+$0x0], $0xffff  }
0x58: {  	v3 =	vld.idx.msk [tilespmem:v3+s5+$0x0], $0xffff  }
0x59: {  	v0 =	vld.idx.msk [tilespmem:v4+s5+$0x0], $0xffff  }
0x5a: {  	s21 =	simm.s32 $0x1D740;
	v1 =	vld.idx.msk [tilespmem:v6+s5+$0x0], $0xffff  }
0x5b: {  	v2 =	vld.idx.msk [tilespmem:v7+s5+$0x0], $0xffff;
	[tilespmem:s21+$0x30] =	vst v9  }
0x5c: {  	s23 =	simm.s32 $0x197F0;
	s22 =	simm.s32 $0x0;
	v4 =	vld.idx.msk [tilespmem:v8+s5+$0x0], $0xffff;
	[tilespmem:s21+$0xFFFFFFD0] =	vst v10  }
.LBB2_5:
0x5d: {  	v6 =	vld [tilespmem:s23+$0x0];
	s22 =	sadd.s32 $0x80, s22;
	[tilespmem:s21+$0xFFFFFFE0] =	vst v5  }
0x5e: {  	v5 =	vld [tilespmem:s23+$0xFFFFFFA0];
	p0 =	slt.u32 s22, $0xF80;
	[tilespmem:s21+$0xFFFFFFF0] =	vst v3  }
0x5f: {  	v3 =	vld [tilespmem:s23+$0xFFFFFFB0];
	[tilespmem:s21+$0x0] =	vst v0  }
0x60: {  	v0 =	vld [tilespmem:s23+$0xFFFFFFC0];
	[tilespmem:s21+$0x10] =	vst v1  }
0x61: {  	v1 =	vld [tilespmem:s23+$0xFFFFFFD0];
	[tilespmem:s21+$0x20] =	vst v2  }
0x62: {  	v2 =	vld [tilespmem:s23+$0xFFFFFFE0];
	[tilespmem:s21+$0xFFFFFFC0] =	vst v4  }
0x63: {  	v4 =	vld [tilespmem:s23+$0xFFFFFFF0]  }
0x64: {  	v7 =	vld [tilespmem:s23+$0xFFFFFF90]  }
0x65: {  	v6 =	vld.idx.msk [tilespmem:v6+s5+$0x0], $0xffff  }
0x66: {  	v8 =	vld.idx.msk [tilespmem:v5+s5+$0x0], $0xffff  }
0x67: {  	v5 =	vld.idx.msk [tilespmem:v3+s5+$0x0], $0xffff  }
.Ltmp1:
0x68: {  	v3 =	vld.idx.msk [tilespmem:v0+s5+$0x0], $0xffff;
	(pc) =	sbr.rel @p0 .LBB2_5-.Ltmp1, $4  }
0x69: {  	v0 =	vld.idx.msk [tilespmem:v1+s5+$0x0], $0xffff  }
0x6a: {  	s21 =	sadd.s32 $0x80, s21;
	v1 =	vld.idx.msk [tilespmem:v2+s5+$0x0], $0xffff  }
0x6b: {  	v2 =	vld.idx.msk [tilespmem:v4+s5+$0x0], $0xffff;
	[tilespmem:s21+$0x30] =	vst v6  }
0x6c: {  	s23 =	sadd.s32 $0x80, s23;
	v4 =	vld.idx.msk [tilespmem:v7+s5+$0x0], $0xffff;
	[tilespmem:s21+$0xFFFFFFD0] =	vst v8  }
0x6d: {  	[tilespmem:s21+$0xFFFFFFE0] =	vst v5  }
0x6e: {  	[tilespmem:s21+$0xFFFFFFF0] =	vst v3  }
0x6f: {  	[tilespmem:s21+$0x0] =	vst v0  }
0x70: {  	[tilespmem:s21+$0x10] =	vst v1  }
0x71: {  	[tilespmem:s21+$0x20] =	vst v2  }
0x72: {  	s30 =	sadd.s32 s20, s7;
	[tilespmem:s21+$0xFFFFFFC0] =	vst v4  }
0x73: {  	[hbm4b:s30+s11] =	stream.strided.scatter [tilespmem:s15], [sflag:$0x2], $0x1000, s12, s11, $0x38;
	[tilespmem:$0x1E700] =	vst v63  }
0x74: {  	_ =	swait.ge [sflag:s16], $0x1000  }
0x75: {  	[sflag:s16] =	ssyncset.done $0x0  }
0x76: {  	s31 =	simm.s32 $0x1A770;
	[sflag:s16] =	ssyncadd.s32 $0xFFFFF000  }
0x77: {  	v0 =	vld [tilespmem:s31+$0x0]  }
0x78: {  	v1 =	vld [tilespmem:s31+$0xFFFFFFA0]  }
0x79: {  	v2 =	vld [tilespmem:s31+$0xFFFFFFB0]  }
0x7a: {  	v3 =	vld [tilespmem:s31+$0xFFFFFFC0]  }
0x7b: {  	v4 =	vld [tilespmem:s31+$0xFFFFFFD0]  }
0x7c: {  	v6 =	vld [tilespmem:s31+$0xFFFFFFE0]  }
0x7d: {  	v7 =	vld [tilespmem:s31+$0xFFFFFFF0]  }
0x7e: {  	v8 =	vld [tilespmem:s31+$0xFFFFFF90]  }
0x7f: {  	v9 =	vld.idx.msk [tilespmem:v0+s5+$0x0], $0xffff  }
0x80: {  	v10 =	vld.idx.msk [tilespmem:v1+s5+$0x0], $0xffff  }
0x81: {  	v5 =	vld.idx.msk [tilespmem:v2+s5+$0x0], $0xffff  }
0x82: {  	v3 =	vld.idx.msk [tilespmem:v3+s5+$0x0], $0xffff  }
0x83: {  	v0 =	vld.idx.msk [tilespmem:v4+s5+$0x0], $0xffff  }
0x84: {  	s21 =	simm.s32 $0x1C740;
	v1 =	vld.idx.msk [tilespmem:v6+s5+$0x0], $0xffff  }
0x85: {  	v2 =	vld.idx.msk [tilespmem:v7+s5+$0x0], $0xffff;
	[tilespmem:s21+$0x30] =	vst v9  }
0x86: {  	s22 =	simm.s32 $0x0;
	s23 =	simm.s32 $0x1A7F0;
	v4 =	vld.idx.msk [tilespmem:v8+s5+$0x0], $0xffff;
	[tilespmem:s21+$0xFFFFFFD0] =	vst v10  }
.LBB2_7:
0x87: {  	v6 =	vld [tilespmem:s23+$0x0];
	s22 =	sadd.s32 $0x80, s22;
	[tilespmem:s21+$0xFFFFFFE0] =	vst v5  }
0x88: {  	v5 =	vld [tilespmem:s23+$0xFFFFFFA0];
	p0 =	slt.u32 s22, $0xF80;
	[tilespmem:s21+$0xFFFFFFF0] =	vst v3  }
0x89: {  	v3 =	vld [tilespmem:s23+$0xFFFFFFB0];
	[tilespmem:s21+$0x0] =	vst v0  }
0x8a: {  	v0 =	vld [tilespmem:s23+$0xFFFFFFC0];
	[tilespmem:s21+$0x10] =	vst v1  }
0x8b: {  	v1 =	vld [tilespmem:s23+$0xFFFFFFD0];
	[tilespmem:s21+$0x20] =	vst v2  }
0x8c: {  	v2 =	vld [tilespmem:s23+$0xFFFFFFE0];
	[tilespmem:s21+$0xFFFFFFC0] =	vst v4  }
0x8d: {  	v4 =	vld [tilespmem:s23+$0xFFFFFFF0]  }
0x8e: {  	v7 =	vld [tilespmem:s23+$0xFFFFFF90]  }
0x8f: {  	v6 =	vld.idx.msk [tilespmem:v6+s5+$0x0], $0xffff  }
0x90: {  	v8 =	vld.idx.msk [tilespmem:v5+s5+$0x0], $0xffff  }
0x91: {  	v5 =	vld.idx.msk [tilespmem:v3+s5+$0x0], $0xffff  }
.Ltmp2:
0x92: {  	v3 =	vld.idx.msk [tilespmem:v0+s5+$0x0], $0xffff;
	(pc) =	sbr.rel @p0 .LBB2_7-.Ltmp2, $4  }
0x93: {  	v0 =	vld.idx.msk [tilespmem:v1+s5+$0x0], $0xffff  }
0x94: {  	s21 =	sadd.s32 $0x80, s21;
	v1 =	vld.idx.msk [tilespmem:v2+s5+$0x0], $0xffff  }
0x95: {  	v2 =	vld.idx.msk [tilespmem:v4+s5+$0x0], $0xffff;
	[tilespmem:s21+$0x30] =	vst v6  }
0x96: {  	s23 =	sadd.s32 $0x80, s23;
	v4 =	vld.idx.msk [tilespmem:v7+s5+$0x0], $0xffff;
	[tilespmem:s21+$0xFFFFFFD0] =	vst v8  }
0x97: {  	[tilespmem:s21+$0xFFFFFFE0] =	vst v5  }
0x98: {  	[tilespmem:s21+$0xFFFFFFF0] =	vst v3  }
0x99: {  	[tilespmem:s21+$0x0] =	vst v0  }
0x9a: {  	[tilespmem:s21+$0x10] =	vst v1  }
0x9b: {  	[tilespmem:s21+$0x20] =	vst v2  }
0x9c: {  	s30 =	sadd.s32 s20, s8;
	[tilespmem:s21+$0xFFFFFFC0] =	vst v4  }
0x9d: {  	[hbm4b:s30+s11] =	stream.strided.scatter [tilespmem:s14], [sflag:$0x1], $0x1000, s12, s11, $0x38;
	[tilespmem:$0x1E700] =	vst v63  }
0x9e: {  	_ =	swait.ge [sflag:s17], $0x1000  }
0x9f: {  	[sflag:s17] =	ssyncset.done $0x0  }
0xa0: {  	s31 =	simm.s32 $0x1B770;
	[sflag:s17] =	ssyncadd.s32 $0xFFFFF000  }
0xa1: {  	v0 =	vld [tilespmem:s31+$0x0]  }
0xa2: {  	v1 =	vld [tilespmem:s31+$0xFFFFFFA0]  }
0xa3: {  	v2 =	vld [tilespmem:s31+$0xFFFFFFB0]  }
0xa4: {  	v3 =	vld [tilespmem:s31+$0xFFFFFFC0]  }
0xa5: {  	v4 =	vld [tilespmem:s31+$0xFFFFFFD0]  }
0xa6: {  	v6 =	vld [tilespmem:s31+$0xFFFFFFE0]  }
0xa7: {  	v7 =	vld [tilespmem:s31+$0xFFFFFFF0]  }
0xa8: {  	v8 =	vld [tilespmem:s31+$0xFFFFFF90]  }
0xa9: {  	v9 =	vld.idx.msk [tilespmem:v0+s5+$0x0], $0xffff  }
0xaa: {  	v10 =	vld.idx.msk [tilespmem:v1+s5+$0x0], $0xffff  }
0xab: {  	v5 =	vld.idx.msk [tilespmem:v2+s5+$0x0], $0xffff  }
0xac: {  	v3 =	vld.idx.msk [tilespmem:v3+s5+$0x0], $0xffff  }
0xad: {  	v0 =	vld.idx.msk [tilespmem:v4+s5+$0x0], $0xffff  }
0xae: {  	s21 =	simm.s32 $0x1D740;
	v1 =	vld.idx.msk [tilespmem:v6+s5+$0x0], $0xffff  }
0xaf: {  	v2 =	vld.idx.msk [tilespmem:v7+s5+$0x0], $0xffff;
	[tilespmem:s21+$0x30] =	vst v9  }
0xb0: {  	s22 =	simm.s32 $0x0;
	s23 =	simm.s32 $0x1B7F0;
	v4 =	vld.idx.msk [tilespmem:v8+s5+$0x0], $0xffff;
	[tilespmem:s21+$0xFFFFFFD0] =	vst v10  }
.LBB2_9:
0xb1: {  	v6 =	vld [tilespmem:s23+$0x0];
	s22 =	sadd.s32 $0x80, s22;
	[tilespmem:s21+$0xFFFFFFE0] =	vst v5  }
0xb2: {  	v5 =	vld [tilespmem:s23+$0xFFFFFFA0];
	p0 =	slt.u32 s22, $0xF80;
	[tilespmem:s21+$0xFFFFFFF0] =	vst v3  }
0xb3: {  	v3 =	vld [tilespmem:s23+$0xFFFFFFB0];
	[tilespmem:s21+$0x0] =	vst v0  }
0xb4: {  	v0 =	vld [tilespmem:s23+$0xFFFFFFC0];
	[tilespmem:s21+$0x10] =	vst v1  }
0xb5: {  	v1 =	vld [tilespmem:s23+$0xFFFFFFD0];
	[tilespmem:s21+$0x20] =	vst v2  }
0xb6: {  	v2 =	vld [tilespmem:s23+$0xFFFFFFE0];
	[tilespmem:s21+$0xFFFFFFC0] =	vst v4  }
0xb7: {  	v4 =	vld [tilespmem:s23+$0xFFFFFFF0]  }
0xb8: {  	v7 =	vld [tilespmem:s23+$0xFFFFFF90]  }
0xb9: {  	v6 =	vld.idx.msk [tilespmem:v6+s5+$0x0], $0xffff  }
0xba: {  	v8 =	vld.idx.msk [tilespmem:v5+s5+$0x0], $0xffff  }
0xbb: {  	v5 =	vld.idx.msk [tilespmem:v3+s5+$0x0], $0xffff  }
.Ltmp3:
0xbc: {  	v3 =	vld.idx.msk [tilespmem:v0+s5+$0x0], $0xffff;
	(pc) =	sbr.rel @p0 .LBB2_9-.Ltmp3, $4  }
0xbd: {  	v0 =	vld.idx.msk [tilespmem:v1+s5+$0x0], $0xffff  }
0xbe: {  	s21 =	sadd.s32 $0x80, s21;
	v1 =	vld.idx.msk [tilespmem:v2+s5+$0x0], $0xffff  }
0xbf: {  	v2 =	vld.idx.msk [tilespmem:v4+s5+$0x0], $0xffff;
	[tilespmem:s21+$0x30] =	vst v6  }
0xc0: {  	s23 =	sadd.s32 $0x80, s23;
	v4 =	vld.idx.msk [tilespmem:v7+s5+$0x0], $0xffff;
	[tilespmem:s21+$0xFFFFFFD0] =	vst v8  }
0xc1: {  	[tilespmem:s21+$0xFFFFFFE0] =	vst v5;
	s19 =	sadd.s32 $0x1, s19  }
0xc2: {  	[tilespmem:s21+$0xFFFFFFF0] =	vst v3;
	p0 =	sne.s32 s19, $0xD  }
.Ltmp4:
0xc3: {  	[tilespmem:s21+$0x0] =	vst v0;
	(pc) =	sbr.rel @p0 .LBB2_2-.Ltmp4, $4  }
0xc4: {  	[tilespmem:s21+$0x10] =	vst v1  }
0xc5: {  	[tilespmem:s21+$0x20] =	vst v2  }
0xc6: {  	s20 =	sadd.s32 s20, s9;
	[tilespmem:s21+$0xFFFFFFC0] =	vst v4  }
0xc7: {  	[hbm4b:s20+s11] =	stream.strided.scatter [tilespmem:s15], [sflag:$0x2], $0x1000, s12, s11, $0x38;
	[tilespmem:$0x1E700] =	vst v63  }
0xc8: {  	s18 =	sadd.s32 $0x1, s18  }
0xc9: {  	_ =	swait.ge [sflag:s16], $0x1000;
	p0 =	sne.s32 s18, s10  }
.Ltmp5:
0xca: {  	[sflag:s16] =	ssyncset.done $0x0;
	(pc) =	sbr.rel @p0 .LBB2_1-.Ltmp5, $4  }
0xcb: {  	[sflag:s16] =	ssyncadd.s32 $0xFFFFF000  }
0xcc: {  	_ =	swait.ge [sflag:s17], $0x1000  }
0xcd: {  	[sflag:s17] =	ssyncset.done $0x0  }
0xce: {  	[sflag:s17] =	ssyncadd.s32 $0xFFFFF000  }
0xcf: {  	_ =	sfence.sel $0x180000  }
0xd0: {  	[bflag:$0x0] =	sbarrier.arrive $0xFFFF  }
0xd1: {  	p0 =	sne.s32 s2, $0x0;
	_ =	strace $0x90000047  }
0xd2: {  	s0 =	sadd.s32 @!p0 $0x100000, s0;
	[bflag:$0x2] =	sbarrier.arrive $0xFFFF  }
0xd3: {  	[sflag:s0] =	ssyncadd.tile.s32 @!p0 $0x1;
	_ =	shalt  }
.Lfunc_end2:
_tile_overlayer_lowered:
.L_overlay_start_2:
0xd4: {  	(tag) =	ssettag $0x2  }
0xd5: {  	s0 =	rddreg [dreg:$0x0];
	s2 =	stileid.u32  }
0xd6: {  	s1 =	rddreg [dreg:$0x1];
	p0 =	sne.s32 s2, $0x0  }
0xd7: {  	s3 =	rddreg [dreg:$0x2];
	[bflag:$0x3] =	sbarrier.arrive $0xFFFF;
	s2 =	simm.s32 @!p0 $0x1C03  }
0xd8: {  	[timem:s3], [sflag:s2] =	dma.local @!p0 [hbm:s0], s1  }
0xd9: {  	s0 =	simm.s32 @!p0 $0x3  }
0xda: {  	_ =	swait.ge @!p0 [sflag:s0], s1  }
0xdb: {  	s1 =	ssub.s32 @!p0 $0x0, s1;
	[sflag:s0] =	ssyncset.done @!p0 $0x0  }
0xdc: {  	[sflag:s0] =	ssyncadd.s32 @!p0 s1  }
0xdd: {  	[bflag:$0x3] =	sbarrier.arrive $0xFFFF  }
0xde: {  	_ =	shalt  }

</sc_bundles>
